<compile_context>
chip_gen: v7x
topology: tpu7x:2x2x1
jax: 0.10.2.dev20260603
libtpu: 0.0.44.dev20260713+nightly
codegen_flags: <defaults>
</compile_context>

<pallas_src>
import jax
import jax.numpy as jnp
from jax import lax
from jax.experimental import pallas as pl
from jax.experimental.pallas import tpu as pltpu
from jax.experimental.pallas import tpu_sc as plsc

_B, _T = 4, 8192
_V, _D = 8, 4
_N = _B * _T
_NC, _NS, _L = 1, 16, 16
_NW = _NC * _NS
_IDS_W = _N // _NW
_W_PER_B = _T // _IDS_W
_TBLK = 128
_NBLK_W = _IDS_W // _TBLK
_NT = _T // _TBLK

_mesh = plsc.VectorSubcoreMesh(
    core_axis_name="c", subcore_axis_name="s", num_cores=_NC, num_subcores=_NS
)


@pl.kernel(
    out_type=jax.ShapeDtypeStruct((_B, _NT, _D, _TBLK), jnp.float32),
    mesh=_mesh,
    scratch_types=[
        pltpu.VMEM((_NBLK_W, _TBLK), jnp.int32),
        pltpu.VMEM((_NBLK_W, _D, _TBLK), jnp.float32),
        pltpu.VMEM((_D, _V), jnp.float32),
        pltpu.VMEM((_V * _D,), jnp.float32),
        pltpu.SemaphoreType.DMA,
        pltpu.SemaphoreType.DMA,
    ],
    compiler_params=pltpu.CompilerParams(
        needs_layout_passes=False, use_tc_tiling_on_sc=False
    ),
)
def _embed_sc(ids_hbm, tab_hbm, out_hbm, ids_v, out_v, tab_raw, tab_v, s1, s2):
    wid = lax.axis_index("s") * _NC + lax.axis_index("c")
    b = wid // _W_PER_B
    tb0 = (wid % _W_PER_B) * _NBLK_W
    cp_tab = pltpu.async_copy(tab_hbm, tab_raw, s1)
    cp_ids = pltpu.async_copy(ids_hbm.at[pl.ds(tb0, _NBLK_W), b, :], ids_v, s2)
    cp_tab.wait()

    lanes = lax.iota(jnp.int32, _L)
    row = lanes >> 2
    col = lanes & 3

    tab_v[pl.ds(0, _L)] = plsc.load_gather(tab_raw, [col, row]) + 2.0
    tab_v[pl.ds(_L, _L)] = plsc.load_gather(tab_raw, [col, row + 4]) + 2.0
    cp_ids.wait()

    @plsc.parallel_loop(0, _IDS_W // _L, unroll=2)
    def body(k):
        blk = k >> 3
        base = (k & 7) * _L
        ids4 = ids_v[blk, pl.ds(base, _L)] * 4
        for d in range(_D):
            out_v[blk, d, pl.ds(base, _L)] = plsc.load_gather(tab_v, [ids4 + d])

    pltpu.sync_copy(out_v, out_hbm.at[b, pl.ds(tb0, _NBLK_W), :, :])


def kernel(input_ids, embed):
    ids3 = jnp.transpose(
        input_ids.astype(jnp.int32).reshape(_B, _NT, _TBLK), (1, 0, 2)
    )
    out = _embed_sc(ids3, embed.T)
    return jnp.transpose(out, (0, 1, 3, 2)).reshape(_B, _T, _D)

# --- scband reference (transcript-rebuilt; emitter-appended) ---
"""Pipeline reference for scband-fake-inner-model-5385888989555 (READ-ONLY COPY).

The authoritative reference and input builder live on the scoring server;
editing this copy changes nothing except your own understanding.
"""

import jax, jax.numpy as jnp
import numpy as np


def setup_inputs(seed: int = 0) -> dict:
    key = jax.random.key(seed)
    k1, k2 = jax.random.split(key)
    input_ids = jax.random.randint(k1, (4, 8192), 0, 8, dtype=jnp.int64 if jax.config.jax_enable_x64 else jnp.int32)
    embed = jax.random.normal(k2, (8, 4), dtype=jnp.float32)
    return {"input_ids": input_ids, "embed": embed}


def reference(input_ids, embed):
    # FakeInnerModel.forward: embedding lookup, then two FakeLayer passes (x + 1.0 each)
    x = jnp.take(embed, input_ids, axis=0)
    x = x + 1.0  # layer 0
    x = x + 1.0  # layer 1
    return x  # last_hidden_state

if __name__ == "__main__":
    import jax
    _d = setup_inputs()
    print(jax.jit(kernel)(*tuple(_d.values())))

</pallas_src>

<mosaic_0001>
#map = affine_map<(d0, d1) -> (0, 0, 0)>
#map1 = affine_map<(d0, d1) -> (0, 0)>
#map2 = affine_map<(d0, d1) -> (0, 0, 0, 0)>
module attributes {stable_mosaic.version = 14 : i64} {
  func.func @_embed_sc(%arg0: i32, %arg1: i32, %arg2: memref<64x4x128xi32, #tpu.memory_space<hbm>>, %arg3: memref<4x8xf32, #tpu.memory_space<hbm>>, %arg4: memref<4x64x4x128xf32, #tpu.memory_space<hbm>>, %arg5: memref<16x128xi32, #tpu.memory_space<vmem>>, %arg6: memref<16x4x128xf32, #tpu.memory_space<vmem>>, %arg7: memref<4x8xf32, #tpu.memory_space<vmem>>, %arg8: memref<32xf32, #tpu.memory_space<vmem>>, %arg9: memref<!tpu.dma_semaphore, #tpu.memory_space<semaphore_mem>>, %arg10: memref<!tpu.dma_semaphore, #tpu.memory_space<semaphore_mem>>) attributes {dimension_semantics = [#tpu.dimension_semantics<core_parallel>, #tpu.dimension_semantics<subcore_parallel>], iteration_bounds = array<i64: 1, 16>, scalar_prefetch = 0 : i64, scratch_operands = 6 : i64, tpu.core_type = #tpu.core_type<sc_vector_subcore>, window_params = [{transform_indices = #map}, {transform_indices = #map1}, {transform_indices = #map2}]} {
    %mul3A = arith.constant 1 : i32
    %mul3A_0 = arith.muli %arg1, %mul3A : i32
    %add3A = arith.addi %mul3A_0, %arg0 : i32
    %jit3A = arith.constant 4 : i32
    %div3A = arith.divsi %add3A, %jit3A : i32
    %sign3A = arith.constant 0 : i32
    %sign3A_1 = arith.cmpi sgt, %add3A, %sign3A : i32
    %sign3A_2 = arith.extui %sign3A_1 : i1 to i32
    %sign3A_3 = arith.constant 0 : i32
    %sign3A_4 = arith.cmpi slt, %add3A, %sign3A_3 : i32
    %sign3A_5 = arith.extui %sign3A_4 : i1 to i32
    %sign3A_6 = arith.subi %sign3A_2, %sign3A_5 : i32
    %sign3A_7 = arith.constant 0 : i32
    %sign3A_8 = arith.cmpi sgt, %jit3A, %sign3A_7 : i32
    %sign3A_9 = arith.extui %sign3A_8 : i1 to i32
    %sign3A_10 = arith.constant 0 : i32
    %sign3A_11 = arith.cmpi slt, %jit3A, %sign3A_10 : i32
    %sign3A_12 = arith.extui %sign3A_11 : i1 to i32
    %sign3A_13 = arith.subi %sign3A_9, %sign3A_12 : i32
    %ne3A = arith.cmpi ne, %sign3A_6, %sign3A_13 : i32
    %rem3A = arith.remsi %add3A, %jit3A : i32
    %ne3A_14 = arith.constant 0 : i32
    %ne3A_15 = arith.cmpi ne, %rem3A, %ne3A_14 : i32
    %and3A = arith.andi %ne3A, %ne3A_15 : i1
    %sub3A = arith.constant 1 : i32
    %sub3A_16 = arith.subi %div3A, %sub3A : i32
    %select_n3A = arith.select %and3A, %sub3A_16, %div3A : i32
    %jit3A_17 = arith.constant 4 : i32
    %eq3A = arith.constant 0 : i32
    %eq3A_18 = arith.cmpi eq, %jit3A_17, %eq3A : i32
    %jit3A_19 = arith.constant 1 : i32
    %select_n3A_20 = arith.select %eq3A_18, %jit3A_19, %jit3A_17 : i32
    %rem3A_21 = arith.remsi %add3A, %select_n3A_20 : i32
    %ne3A_22 = arith.constant 0 : i32
    %ne3A_23 = arith.cmpi ne, %rem3A_21, %ne3A_22 : i32
    %lt3A = arith.constant 0 : i32
    %lt3A_24 = arith.cmpi slt, %rem3A_21, %lt3A : i32
    %lt3A_25 = arith.constant 0 : i32
    %lt3A_26 = arith.cmpi slt, %select_n3A_20, %lt3A_25 : i32
    %ne3A_27 = arith.xori %lt3A_24, %lt3A_26 : i1
    %and3A_28 = arith.andi %ne3A_27, %ne3A_23 : i1
    %add3A_29 = arith.addi %rem3A_21, %select_n3A_20 : i32
    %select_n3A_30 = arith.select %and3A_28, %add3A_29, %rem3A_21 : i32
    %mul3A_31 = arith.constant 16 : i32
    %mul3A_32 = arith.muli %select_n3A_30, %mul3A_31 : i32
    tpu.enqueue_dma source(%arg3 : memref<4x8xf32, #tpu.memory_space<hbm>>) target(%arg7 : memref<4x8xf32, #tpu.memory_space<vmem>>) target_semaphore(%arg9 : memref<!tpu.dma_semaphore, #tpu.memory_space<semaphore_mem>>)
    %dma_start3A = arith.constant 0 : i32
    %dma_start3A_33 = tpu.memref_slice %arg2[%mul3A_32, %select_n3A, %dma_start3A] : memref<64x4x128xi32, #tpu.memory_space<hbm>> -> memref<16x1x128xi32, #tpu.memory_space<hbm>>
    %dma_start3A_34 = tpu.memref_squeeze %dma_start3A_33 : memref<16x1x128xi32, #tpu.memory_space<hbm>> -> memref<16x128xi32, #tpu.memory_space<hbm>>
    %dma_start3A_35 = arith.constant 0 : i32
    %dma_start3A_36 = tpu.memref_slice %arg2[%mul3A_32, %select_n3A, %dma_start3A_35] : memref<64x4x128xi32, #tpu.memory_space<hbm>> -> memref<16x1x128xi32, #tpu.memory_space<hbm>>
    %dma_start3A_37 = tpu.memref_squeeze %dma_start3A_36 : memref<16x1x128xi32, #tpu.memory_space<hbm>> -> memref<16x128xi32, #tpu.memory_space<hbm>>
    tpu.enqueue_dma source(%dma_start3A_37 : memref<16x128xi32, #tpu.memory_space<hbm>>) target(%arg5 : memref<16x128xi32, #tpu.memory_space<vmem>>) target_semaphore(%arg10 : memref<!tpu.dma_semaphore, #tpu.memory_space<semaphore_mem>>)
    tpu.wait_dma2 semaphore(%arg9 : memref<!tpu.dma_semaphore, #tpu.memory_space<semaphore_mem>>) src(%arg3 : memref<4x8xf32, #tpu.memory_space<hbm>>) dst(%arg7 : memref<4x8xf32, #tpu.memory_space<vmem>>)
    %iota3A = tpu.iota {dimensions = array<i32: 0>} : vector<16xi32>
    %shift_right_arithmetic3A = arith.constant 2 : i32
    %shift_right_arithmetic3A_38 = vector.broadcast %shift_right_arithmetic3A : i32 to vector<16xi32>
    %shift_right_arithmetic3A_39 = arith.shrsi %iota3A, %shift_right_arithmetic3A_38 : vector<16xi32>
    %and3A_40 = arith.constant 3 : i32
    %and3A_41 = vector.broadcast %and3A_40 : i32 to vector<16xi32>
    %and3A_42 = arith.andi %iota3A, %and3A_41 : vector<16xi32>
    %gather3A = tpu.vector_load_idx %arg7[%and3A_42, %shift_right_arithmetic3A_39] : memref<4x8xf32, #tpu.memory_space<vmem>>[vector<16xi32>, vector<16xi32>], vector<16xf32>,
    %add3A_43 = arith.constant 2.000000e+00 : f32
    %add3A_44 = vector.broadcast %add3A_43 : f32 to vector<16xf32>
    %add3A_45 = arith.addf %gather3A, %add3A_44 : vector<16xf32>
    %swap3A = arith.constant 0 : index
    %swap3A_46 = tpu.vector_load %arg8[%swap3A] {strides = array<i32>} : memref<32xf32, #tpu.memory_space<vmem>>, vector<16xf32>,
    tpu.vector_store %arg8[%swap3A], %add3A_45 {strides = array<i32>} : memref<32xf32, #tpu.memory_space<vmem>>, vector<16xf32>,
    %add3A_47 = arith.constant 4 : i32
    %add3A_48 = vector.broadcast %add3A_47 : i32 to vector<16xi32>
    %add3A_49 = arith.addi %shift_right_arithmetic3A_39, %add3A_48 : vector<16xi32>
    %gather3A_50 = tpu.vector_load_idx %arg7[%and3A_42, %add3A_49] : memref<4x8xf32, #tpu.memory_space<vmem>>[vector<16xi32>, vector<16xi32>], vector<16xf32>,
    %add3A_51 = arith.constant 2.000000e+00 : f32
    %add3A_52 = vector.broadcast %add3A_51 : f32 to vector<16xf32>
    %add3A_53 = arith.addf %gather3A_50, %add3A_52 : vector<16xf32>
    %swap3A_54 = arith.constant 16 : index
    %swap3A_55 = tpu.vector_load %arg8[%swap3A_54] {strides = array<i32>} : memref<32xf32, #tpu.memory_space<vmem>>, vector<16xf32>,
    tpu.vector_store %arg8[%swap3A_54], %add3A_53 {strides = array<i32>} : memref<32xf32, #tpu.memory_space<vmem>>, vector<16xf32>,
    %dma_wait3A = arith.constant 0 : i32
    %dma_wait3A_56 = tpu.memref_slice %arg2[%mul3A_32, %select_n3A, %dma_wait3A] : memref<64x4x128xi32, #tpu.memory_space<hbm>> -> memref<16x1x128xi32, #tpu.memory_space<hbm>>
    %dma_wait3A_57 = tpu.memref_squeeze %dma_wait3A_56 : memref<16x1x128xi32, #tpu.memory_space<hbm>> -> memref<16x128xi32, #tpu.memory_space<hbm>>
    %dma_wait3A_58 = arith.constant 0 : i32
    %dma_wait3A_59 = tpu.memref_slice %arg2[%mul3A_32, %select_n3A, %dma_wait3A_58] : memref<64x4x128xi32, #tpu.memory_space<hbm>> -> memref<16x1x128xi32, #tpu.memory_space<hbm>>
    %dma_wait3A_60 = tpu.memref_squeeze %dma_wait3A_59 : memref<16x1x128xi32, #tpu.memory_space<hbm>> -> memref<16x128xi32, #tpu.memory_space<hbm>>
    tpu.wait_dma2 semaphore(%arg10 : memref<!tpu.dma_semaphore, #tpu.memory_space<semaphore_mem>>) src(%dma_wait3A_60 : memref<16x128xi32, #tpu.memory_space<hbm>>) dst(%arg5 : memref<16x128xi32, #tpu.memory_space<vmem>>)
    %parallel_loop3A = arith.constant 0 : i32
    %parallel_loop3A_61 = arith.constant 128 : i32
    %parallel_loop3A_62 = arith.constant 1 : i32
    scf.for %parallel_loop3A_63 = %parallel_loop3A to %parallel_loop3A_61 step %parallel_loop3A_62  : i32 {
      %parallel_loop3A_64 = arith.constant 3 : i32
      %parallel_loop3A_65 = arith.shrsi %parallel_loop3A_63, %parallel_loop3A_64 : i32
      %parallel_loop3A_66 = arith.constant 7 : i32
      %parallel_loop3A_67 = arith.andi %parallel_loop3A_63, %parallel_loop3A_66 : i32
      %parallel_loop3A_68 = arith.constant 16 : i32
      %parallel_loop3A_69 = arith.muli %parallel_loop3A_67, %parallel_loop3A_68 : i32
      %parallel_loop3A_70 = arith.index_cast %parallel_loop3A_65 : i32 to index
      %parallel_loop3A_71 = arith.index_cast %parallel_loop3A_69 : i32 to index
      %parallel_loop3A_72 = tpu.vector_load %arg5[%parallel_loop3A_70, %parallel_loop3A_71] {strides = array<i32>} : memref<16x128xi32, #tpu.memory_space<vmem>>, vector<16xi32>,
      %parallel_loop3A_73 = arith.constant 4 : i32
      %parallel_loop3A_74 = vector.broadcast %parallel_loop3A_73 : i32 to vector<16xi32>
      %parallel_loop3A_75 = arith.muli %parallel_loop3A_72, %parallel_loop3A_74 : vector<16xi32>
      %parallel_loop3A_76 = arith.constant 0 : i32
      %parallel_loop3A_77 = vector.broadcast %parallel_loop3A_76 : i32 to vector<16xi32>
      %parallel_loop3A_78 = arith.addi %parallel_loop3A_75, %parallel_loop3A_77 : vector<16xi32>
      %parallel_loop3A_79 = tpu.vector_load_idx %arg8[%parallel_loop3A_78] : memref<32xf32, #tpu.memory_space<vmem>>[vector<16xi32>], vector<16xf32>,
      %parallel_loop3A_80 = arith.constant 0 : i32
      %parallel_loop3A_81 = arith.index_cast %parallel_loop3A_65 : i32 to index
      %parallel_loop3A_82 = arith.index_cast %parallel_loop3A_80 : i32 to index
      %parallel_loop3A_83 = arith.index_cast %parallel_loop3A_69 : i32 to index
      %parallel_loop3A_84 = tpu.vector_load %arg6[%parallel_loop3A_81, %parallel_loop3A_82, %parallel_loop3A_83] {strides = array<i32>} : memref<16x4x128xf32, #tpu.memory_space<vmem>>, vector<16xf32>,
      tpu.vector_store %arg6[%parallel_loop3A_81, %parallel_loop3A_82, %parallel_loop3A_83], %parallel_loop3A_79 {strides = array<i32>} : memref<16x4x128xf32, #tpu.memory_space<vmem>>, vector<16xf32>,
      %parallel_loop3A_85 = arith.constant 1 : i32
      %parallel_loop3A_86 = vector.broadcast %parallel_loop3A_85 : i32 to vector<16xi32>
      %parallel_loop3A_87 = arith.addi %parallel_loop3A_75, %parallel_loop3A_86 : vector<16xi32>
      %parallel_loop3A_88 = tpu.vector_load_idx %arg8[%parallel_loop3A_87] : memref<32xf32, #tpu.memory_space<vmem>>[vector<16xi32>], vector<16xf32>,
      %parallel_loop3A_89 = arith.constant 1 : i32
      %parallel_loop3A_90 = arith.index_cast %parallel_loop3A_65 : i32 to index
      %parallel_loop3A_91 = arith.index_cast %parallel_loop3A_89 : i32 to index
      %parallel_loop3A_92 = arith.index_cast %parallel_loop3A_69 : i32 to index
      %parallel_loop3A_93 = tpu.vector_load %arg6[%parallel_loop3A_90, %parallel_loop3A_91, %parallel_loop3A_92] {strides = array<i32>} : memref<16x4x128xf32, #tpu.memory_space<vmem>>, vector<16xf32>,
      tpu.vector_store %arg6[%parallel_loop3A_90, %parallel_loop3A_91, %parallel_loop3A_92], %parallel_loop3A_88 {strides = array<i32>} : memref<16x4x128xf32, #tpu.memory_space<vmem>>, vector<16xf32>,
      %parallel_loop3A_94 = arith.constant 2 : i32
      %parallel_loop3A_95 = vector.broadcast %parallel_loop3A_94 : i32 to vector<16xi32>
      %parallel_loop3A_96 = arith.addi %parallel_loop3A_75, %parallel_loop3A_95 : vector<16xi32>
      %parallel_loop3A_97 = tpu.vector_load_idx %arg8[%parallel_loop3A_96] : memref<32xf32, #tpu.memory_space<vmem>>[vector<16xi32>], vector<16xf32>,
      %parallel_loop3A_98 = arith.constant 2 : i32
      %parallel_loop3A_99 = arith.index_cast %parallel_loop3A_65 : i32 to index
      %parallel_loop3A_100 = arith.index_cast %parallel_loop3A_98 : i32 to index
      %parallel_loop3A_101 = arith.index_cast %parallel_loop3A_69 : i32 to index
      %parallel_loop3A_102 = tpu.vector_load %arg6[%parallel_loop3A_99, %parallel_loop3A_100, %parallel_loop3A_101] {strides = array<i32>} : memref<16x4x128xf32, #tpu.memory_space<vmem>>, vector<16xf32>,
      tpu.vector_store %arg6[%parallel_loop3A_99, %parallel_loop3A_100, %parallel_loop3A_101], %parallel_loop3A_97 {strides = array<i32>} : memref<16x4x128xf32, #tpu.memory_space<vmem>>, vector<16xf32>,
      %parallel_loop3A_103 = arith.constant 3 : i32
      %parallel_loop3A_104 = vector.broadcast %parallel_loop3A_103 : i32 to vector<16xi32>
      %parallel_loop3A_105 = arith.addi %parallel_loop3A_75, %parallel_loop3A_104 : vector<16xi32>
      %parallel_loop3A_106 = tpu.vector_load_idx %arg8[%parallel_loop3A_105] : memref<32xf32, #tpu.memory_space<vmem>>[vector<16xi32>], vector<16xf32>,
      %parallel_loop3A_107 = arith.constant 3 : i32
      %parallel_loop3A_108 = arith.index_cast %parallel_loop3A_65 : i32 to index
      %parallel_loop3A_109 = arith.index_cast %parallel_loop3A_107 : i32 to index
      %parallel_loop3A_110 = arith.index_cast %parallel_loop3A_69 : i32 to index
      %parallel_loop3A_111 = tpu.vector_load %arg6[%parallel_loop3A_108, %parallel_loop3A_109, %parallel_loop3A_110] {strides = array<i32>} : memref<16x4x128xf32, #tpu.memory_space<vmem>>, vector<16xf32>,
      tpu.vector_store %arg6[%parallel_loop3A_108, %parallel_loop3A_109, %parallel_loop3A_110], %parallel_loop3A_106 {strides = array<i32>} : memref<16x4x128xf32, #tpu.memory_space<vmem>>, vector<16xf32>,
    } {sc.loop_unroll_factor = 2 : i64, sc.parallel_access}
    "tpu.region"() ({
      %run_scoped3A = tpu.sem_alloc : memref<!tpu.dma_semaphore, #tpu.memory_space<semaphore_mem>>
      %dma_start3A_63 = arith.constant 0 : i32
      %dma_start3A_64 = arith.constant 0 : i32
      %dma_start3A_65 = tpu.memref_slice %arg4[%select_n3A, %mul3A_32, %dma_start3A_63, %dma_start3A_64] : memref<4x64x4x128xf32, #tpu.memory_space<hbm>> -> memref<1x16x4x128xf32, #tpu.memory_space<hbm>>
      %dma_start3A_66 = tpu.memref_squeeze %dma_start3A_65 : memref<1x16x4x128xf32, #tpu.memory_space<hbm>> -> memref<16x4x128xf32, #tpu.memory_space<hbm>>
      %dma_start3A_67 = arith.constant 0 : i32
      %dma_start3A_68 = arith.constant 0 : i32
      %dma_start3A_69 = tpu.memref_slice %arg4[%select_n3A, %mul3A_32, %dma_start3A_67, %dma_start3A_68] : memref<4x64x4x128xf32, #tpu.memory_space<hbm>> -> memref<1x16x4x128xf32, #tpu.memory_space<hbm>>
      %dma_start3A_70 = tpu.memref_squeeze %dma_start3A_69 : memref<1x16x4x128xf32, #tpu.memory_space<hbm>> -> memref<16x4x128xf32, #tpu.memory_space<hbm>>
      tpu.enqueue_dma source(%arg6 : memref<16x4x128xf32, #tpu.memory_space<vmem>>) target(%dma_start3A_70 : memref<16x4x128xf32, #tpu.memory_space<hbm>>) target_semaphore(%run_scoped3A : memref<!tpu.dma_semaphore, #tpu.memory_space<semaphore_mem>>)
      %dma_wait3A_71 = arith.constant 0 : i32
      %dma_wait3A_72 = arith.constant 0 : i32
      %dma_wait3A_73 = tpu.memref_slice %arg4[%select_n3A, %mul3A_32, %dma_wait3A_71, %dma_wait3A_72] : memref<4x64x4x128xf32, #tpu.memory_space<hbm>> -> memref<1x16x4x128xf32, #tpu.memory_space<hbm>>
      %dma_wait3A_74 = tpu.memref_squeeze %dma_wait3A_73 : memref<1x16x4x128xf32, #tpu.memory_space<hbm>> -> memref<16x4x128xf32, #tpu.memory_space<hbm>>
      %dma_wait3A_75 = arith.constant 0 : i32
      %dma_wait3A_76 = arith.constant 0 : i32
      %dma_wait3A_77 = tpu.memref_slice %arg4[%select_n3A, %mul3A_32, %dma_wait3A_75, %dma_wait3A_76] : memref<4x64x4x128xf32, #tpu.memory_space<hbm>> -> memref<1x16x4x128xf32, #tpu.memory_space<hbm>>
      %dma_wait3A_78 = tpu.memref_squeeze %dma_wait3A_77 : memref<1x16x4x128xf32, #tpu.memory_space<hbm>> -> memref<16x4x128xf32, #tpu.memory_space<hbm>>
      tpu.wait_dma2 semaphore(%run_scoped3A : memref<!tpu.dma_semaphore, #tpu.memory_space<semaphore_mem>>) src(%arg6 : memref<16x4x128xf32, #tpu.memory_space<vmem>>) dst(%dma_wait3A_78 : memref<16x4x128xf32, #tpu.memory_space<hbm>>)
      tpu.yield
    }) : () -> ()
    return
  }
}

</mosaic_0001>

<sc_bundles>
// kernel: kernel.3.cloned.1.call-start
scs
__scs_entry_jumppad:
0x0: {  	(pc) =	sbr.rel $0x88, $3  }
0x1: {  	(tag) =	ssettag $0x0;
	lr =	simm.s32 $0x1  }
0x2: {  	[smem:$0x3F9F] =	sst lr;
	_ =	strace $0xD0000000  }
0x3: {  	_ = 	snop  }
0x4: {  	_ = 	snop  }
0x5: {  	_ = 	snop  }
0x6: {  	_ = 	snop  }
0x7: {  	_ = 	snop  }
__scs_overlays_trampoline_lowered:
0x8: {  	[smem:$0x3FAE] =	sst s0  }
0x9: {  	[smem:$0x3FAF] =	sst s1  }
0xa: {  	[smem:$0x3FB0] =	sst s2  }
0xb: {  	[smem:$0x3FB1] =	sst s3  }
0xc: {  	[smem:$0x3FB2] =	sst s4  }
0xd: {  	[smem:$0x3FB3] =	sst s5  }
0xe: {  	[smem:$0x3FB4] =	sst s6  }
0xf: {  	[smem:$0x3FB5] =	sst s7  }
0x10: {  	[smem:$0x3FB6] =	sst s8  }
0x11: {  	[smem:$0x3FB7] =	sst s9;
	s0 =	simm.s32 @!p0 $0x0  }
0x12: {  	s1 =	sld [smem:$0x3F9D];
	s0 =	simm.s32 @p0 $0x1  }
0x13: {  	[smem:$0x3FB8] =	sst s0;
	s0 =	simm.s32 @!p1 $0x0  }
0x14: {  	s2 =	sld [smem:$0x3F9C];
	s0 =	simm.s32 @p1 $0x1  }
0x15: {  	[smem:$0x3FB9] =	sst s0;
	s0 =	simm.s32 @!p2 $0x0  }
0x16: {  	s3 =	sld [smem:$0x3FDB];
	s0 =	simm.s32 @p2 $0x1  }
0x17: {  	s4 =	simm.s32 $0x1BF5;
	[smem:$0x3FBB] =	sst s0  }
0x18: {  	s0 =	sld [smem:$0x3F9E];
	_ =	swait.ge [sflag:s4], $0x0  }
0x19: {  	s7 =	sld [smem:$0x3F9F]  }
0x1a: {  	s8 =	sadd.s32 $0xFFFFE003, lr  }
0x1b: {  	s9 =	sadd.s32 $0xFFFFFEF7, lr;
	s5 =	simm.s32 $0xFFFFFFFF;
	p2 =	slt.u32 s8, $0xFFFFF086  }
0x1c: {  	p1 =	slt.u32 s9, $0xF7A;
	s5 =	simm.s32 @!p2 $0x0  }
0x1d: {  	s5 =	simm.s32 @p1 $0x1;
	p0 =	seq.s32 s7, s2  }
0x1e: {  	s7 =	smul.u32 @!p0 $0xF7A, s2;
	p2 =	seq.s32 @!p0 s5, $0x0  }
0x1f: {  	s9 =	smul.u32 $0xF7A, s1;
	s8 =	simm.s32 @!p0 $0x1BF5;
	p2 =	por !p2, p0  }
0x20: {  	[sflag:s8] =	ssyncset.s32 @!p0 $0xFFFFF086;
	s6 =	sadd.s32 @!p0 s3, s7;
	s7 =	simm.s32 @!p0 $0x108  }
0x21: {  	s3 =	sadd.s32 s3, s9;
	s6 =	sadd.s32 @!p0 $0x88, s6;
	s7 =	simm.s32 @p2 $0x1082  }
0x22: {  	[simem:s7], [sflag:s8] =	dma.local @!p0 [hbm:s6], $0xF7A  }
0x23: {  	s9 =	sor.u32 $0xD0000000, s2;
	s6 =	simm.s32 $0x108;
	_ =	swait.ge @!p0 [sflag:s8], $0x0  }
0x24: {  	s3 =	sadd.s32 $0x88, s3;
	s6 =	simm.s32 @!p1 $0x1082;
	[sflag:s4] =	ssyncset.s32 $0xFFFFF086  }
0x25: {  	[simem:s6], [sflag:s4] =	dma.local [hbm:s3], $0xF7A  }
0x26: {  	[smem:$0x3F9F] =	sst s1;
	(tag) =	ssettag s2;
	_ =	strace s9  }
0x27: {  	s1 =	sld [smem:$0x3FAF]  }
0x28: {  	s2 =	sld [smem:$0x3FB0]  }
0x29: {  	s4 =	sld [smem:$0x3FB2]  }
0x2a: {  	p0 =	seq.s32 s5, $0x0;
	s5 =	sld [smem:$0x3FB3]  }
0x2b: {  	s6 =	sld [smem:$0x3FB4]  }
0x2c: {  	s7 =	sld [smem:$0x3FB5]  }
0x2d: {  	s3 =	simm.s32 $0x108;
	s8 =	sld [smem:$0x3FB6]  }
0x2e: {  	s3 =	simm.s32 @!p0 $0x1082;
	s9 =	sld [smem:$0x3FB7]  }
0x2f: {  	lr =	sadd.s32 s0, s3;
	s0 =	sld [smem:$0x3FAE]  }
0x30: {  	s3 =	sld [smem:$0x3FB1]  }
0x31: {  	[smem:$0x3FBA] =	sst s10  }
0x32: {  	s10 =	sld [smem:$0x3FB8];
	_ =	sdelay $0x3  }
0x33: {  	p0 =	seq.s32 s10, $0x1;
	s10 =	sld [smem:$0x3FBA];
	_ =	sdelay $0x3  }
0x34: {  	[smem:$0x3FBA] =	sst s10  }
0x35: {  	s10 =	sld [smem:$0x3FB9];
	_ =	sdelay $0x3  }
0x36: {  	p1 =	seq.s32 s10, $0x1;
	s10 =	sld [smem:$0x3FBA];
	_ =	sdelay $0x3  }
0x37: {  	[smem:$0x3FBA] =	sst s10  }
0x38: {  	s10 =	sld [smem:$0x3FBB]  }
0x39: {  	_ = 	snop;
	(pc) =	sbr.ind lr, $3  }
0x3a: {  	_ = 	snop  }
0x3b: {  	_ = 	snop  }
0x3c: {  	p2 =	seq.s32 s10, $0x1;
	s10 =	sld [smem:$0x3FBA]  }
0x3d: {  	_ =	shalt  }
0x3e: {  	_ =	shalt  }
0x3f: {  	_ =	shalt  }
0x40: {  	_ =	shalt  }
0x41: {  	_ =	shalt  }
0x42: {  	_ =	shalt  }
0x43: {  	_ =	shalt  }
0x44: {  	_ =	shalt  }
0x45: {  	_ =	shalt  }
0x46: {  	_ =	shalt  }
0x47: {  	_ =	shalt  }
0x48: {  	_ =	shalt  }
0x49: {  	_ =	shalt  }
0x4a: {  	_ =	shalt  }
0x4b: {  	_ =	shalt  }
0x4c: {  	_ =	shalt  }
0x4d: {  	_ =	shalt  }
0x4e: {  	_ =	shalt  }
0x4f: {  	_ =	shalt  }
0x50: {  	_ =	shalt  }
0x51: {  	_ =	shalt  }
0x52: {  	_ =	shalt  }
0x53: {  	_ =	shalt  }
0x54: {  	_ =	shalt  }
0x55: {  	_ =	shalt  }
0x56: {  	_ =	shalt  }
0x57: {  	_ =	shalt  }
0x58: {  	_ =	shalt  }
0x59: {  	_ =	shalt  }
0x5a: {  	_ =	shalt  }
0x5b: {  	_ =	shalt  }
0x5c: {  	_ =	shalt  }
0x5d: {  	_ =	shalt  }
0x5e: {  	_ =	shalt  }
0x5f: {  	_ =	shalt  }
0x60: {  	_ =	shalt  }
0x61: {  	_ =	shalt  }
0x62: {  	_ =	shalt  }
0x63: {  	_ =	shalt  }
0x64: {  	_ =	shalt  }
0x65: {  	_ =	shalt  }
0x66: {  	_ =	shalt  }
0x67: {  	_ =	shalt  }
0x68: {  	_ =	shalt  }
0x69: {  	_ =	shalt  }
0x6a: {  	_ =	shalt  }
0x6b: {  	_ =	shalt  }
0x6c: {  	_ =	shalt  }
0x6d: {  	_ =	shalt  }
0x6e: {  	_ =	shalt  }
0x6f: {  	_ =	shalt  }
0x70: {  	_ =	shalt  }
0x71: {  	_ =	shalt  }
0x72: {  	_ =	shalt  }
0x73: {  	_ =	shalt  }
0x74: {  	_ =	shalt  }
0x75: {  	_ =	shalt  }
0x76: {  	_ =	shalt  }
0x77: {  	_ =	shalt  }
0x78: {  	_ =	shalt  }
0x79: {  	_ =	shalt  }
0x7a: {  	_ =	shalt  }
0x7b: {  	_ =	shalt  }
0x7c: {  	_ =	shalt  }
0x7d: {  	_ =	shalt  }
0x7e: {  	_ =	shalt  }
0x7f: {  	_ =	shalt  }
0x80: {  	_ =	shalt  }
0x81: {  	_ =	shalt  }
0x82: {  	_ =	shalt  }
0x83: {  	_ =	shalt  }
0x84: {  	_ =	shalt  }
0x85: {  	_ =	shalt  }
0x86: {  	_ =	shalt  }
0x87: {  	_ =	shalt  }
.Lfunc_end0:
.L_simem_size_0:
called_computation_lowered:
.L_overlay_start_0:
0x88: {  	s0 =	sld [smem:$0x3FD9]  }
0x89: {  	s1 =	sld [smem:$0x3FFE];
	_ =	sdelay $0x3  }
0x8a: {  	s0 =	sadd.s32 s1, s0  }
0x8b: {  	[smem:$0x3FC6] =	sst s0  }
0x8c: {  	_ = 	snop  }
0x8d: {  	s0 =	sld [smem:$0x3FC9]  }
0x8e: {  	s16 =	sld [smem:$0x3FD0];
	(tm) =	ssettm $0x1  }
0x8f: {  	s2 =	sld [smem:$0x3FFB];
	_ =	sdelay $0x3  }
0x90: {  	_ =	strace s2  }
0x91: {  	s2 =	sld [smem:$0x3FFC];
	_ =	sdelay $0x3  }
0x92: {  	_ =	strace s2  }
0x93: {  	s2 =	sld [smem:$0x3FFD];
	_ =	sdelay $0x3  }
0x94: {  	_ =	strace s2  }
0x95: {  	_ =	strace $0x8FFFFFFF  }
0x96: {  	s17 =	sld [smem:$0x3FDB];
	_ =	sdelay $0x1  }
0x97: {  	s3 =	simm.s32 $_scs_section_size  }
0x98: {  	s4 =	simm.s32 $_size__tile_overlayer_lowered;
	s5 =	simm.s32 $_tile_overlayer_lowered  }
0x99: {  	s20 =	simm.s32 $0x1BFF;
	s19 =	sshll.u32 s5, $0x1;
	s2 =	sadd.s32 s3, s17  }
0x9a: {  	s6 =	simm.s32 $0x0;
	s18 =	sshll.u32 s4, $0x1;
	s4 =	sadd.s32 s19, s2  }
0x9b: {  	[timem:s6], [sflag:s20] =	dma.local [hbm:s4], s18  }
0x9c: {  	_ =	swait.ge [sflag:s20], s18  }
0x9d: {  	s3 =	ssub.s32 $0x0, s18;
	[sflag:s20] =	ssyncset.done $0x0  }
0x9e: {  	[sflag:s20] =	ssyncadd.s32 s3;
	_ =	sdelay $0x1  }
0x9f: {  	s21 =	simm.s32 $0x1B8B  }
0xa0: {  	_ =	swait.ge [sflag:s21], $0x1  }
0xa1: {  	[sflag:s21] =	ssyncset.done $0x0  }
0xa2: {  	s23 =	simm.s32 $0x1B8E;
	s22 =	sld [smem:$0x3FFE];
	[sflag:s21] =	ssyncadd.s32 $0xFFFFFFFF  }
0xa3: {  	s24 =	simm.s32 $execute0_lowered;
	[smem:$0x3FD2] =	sst s23  }
0xa4: {  	s4 =	sshll.u32 s24, $0x1;
	_ =	strace $0x80000046;
	[dreg:$0x1] =	wrdreg $0xFFFFFFFF  }
0xa5: {  	s25 =	simm.s32 $_size_execute0_lowered;
	s2 =	sadd.s32 s2, s4;
	[dreg:$0x0] =	wrdreg $0x0  }
0xa6: {  	s4 =	sshll.u32 s25, $0x1;
	[dreg:$0x2] =	wrdreg s2  }
0xa7: {  	[dreg:$0x3] =	wrdreg s4  }
0xa8: {  	[dreg:$0x4] =	wrdreg $0xC0  }
0xa9: {  	_ =	task [dreg:s6], $0x5FFFF  }
0xaa: {  	[dreg:$0x1] =	wrdreg $0xFFFFFFFF  }
0xab: {  	[dreg:$0x0] =	wrdreg $0x60  }
0xac: {  	[dreg:$0x2] =	wrdreg s0  }
0xad: {  	[dreg:$0x3] =	wrdreg s22  }
0xae: {  	[dreg:$0x4] =	wrdreg s16  }
0xaf: {  	[dreg:$0x5] =	wrdreg $0x9  }
0xb0: {  	_ =	task.clear_ibuf [dreg:s6], $0x6FFFF;
	_ =	strace $0x90000046  }
0xb1: {  	s26 =	simm.s32 $0x9;
	_ =	strace $0x80000048  }
0xb2: {  	_ =	swait.ge [sflag:s26], $0x1  }
0xb3: {  	[sflag:s26] =	ssyncadd.s32 $0xFFFFFFFF  }
0xb4: {  	_ =	strace $0x90000048  }
0xb5: {  	_ =	sfence  }
0xb6: {  	s28 =	sld [smem:$0x0];
	_ =	sdelay $0x1  }
0xb7: {  	s29 =	srdreg.scid  }
0xb8: {  	s30 =	sshll.u32 s29, $0xD;
	s31 =	sshrl.u32 s29, $0x2  }
0xb9: {  	s1 =	sand.u32 $0x1, s29;
	s2 =	sand.u32 $0x4000, s30;
	s0 =	sadd.s32 s31, s28  }
0xba: {  	s1 =	sor.u32 s2, s1;
	s0 =	sshll.u32 s0, $0x11  }
0xbb: {  	s0 =	sor.u32 s0, s1  }
0xbc: {  	s0 =	sadd.s32 $0x8F2B, s0  }
0xbd: {  	[sflag:s0] =	ssyncadd.remote.s32 $0x1  }
0xbe: {  	_ =	sfence.sel $0xFFFF  }
0xbf: {  	[dreg:$0x0] =	wrdreg $0xFFFFFFFF;
	(pc) =	sbr.abs _section_cstart, $3  }
0xc0: {  	[dreg:$0x1] =	wrdreg $0xFFFFFFFF  }
0xc1: {  	_ =	task.clear_ibuf [dreg:s6], $0x2FFFF;
	_ =	strace $0x9FFFFFFF  }
0xc2: {  	(tm) =	ssettm $0x7FFFFFFF  }
0xc3: {  	_ =	shalt  }
tec
execute0_lowered:
.L_overlay_start_1:
0x0: {  	(tag) =	ssettag $0x1  }
0x1: {  	s5 =	rddreg [dreg:$0x0]  }
0x2: {  	s6 =	rddreg [dreg:$0x1];
	s0 =	stileid.u32  }
0x3: {  	s2 =	rddreg [dreg:$0x2];
	s7 =	simm.s32 $0x0;
	v0 =	vimm.s32 $0x1A120A02;
	v1 =	vimm.s32 $0x1B130B03;
	s9 =	simm.s32 $0x2800  }
0x4: {  	v2 =	vimm.s32 $0x18100800;
	v3 =	vimm.s32 $0x19110901;
	s1 =	sshll.u32 s0, $0xD;
	[smem:$0x7FF] =	sst s7;
	s4 =	sshrl.u32 s0, $0x2;
	v0 =	vunpack.c.0.s8.s32 v0  }
0x5: {  	v1 =	vunpack.c.0.s8.s32 v1;
	v2 =	vunpack.c.0.s8.s32 v2;
	v3 =	vunpack.c.0.s8.s32 v3;
	s6 =	sadd.s32 $0x600, s6;
	s3 =	sand.u32 $0x6000, s1;
	s8 =	sshll.u32 s4, $0x7  }
0x6: {  	vm0 =	vcmask $0x1F10;
	s1 =	rddreg [dreg:$0x3];
	_ =	strace $0x80000047;
	s8 =	sor.u32 s8, s3  }
0x7: {  	[tilespmem:s9], [sflag:$0x1] =	stream.linear.gather [hbm4b:s6+s7], $0x20, $0x38;
	v0 =	vsel vm0, v1, v0;
	v1 =	vsel vm0, v3, v2;
	[tilespmem:$0x2840] =	vst v63  }
0x8: {  	s19 =	simm.s32 $0x80;
	s8 =	sshrl.u32 s8, $0x3;
	v0 =	vcombine.low v1, v0  }
0x9: {  	s20 =	simm.s32 $0x200;
	s21 =	simm.s32 $0x1;
	s5 =	sadd.s32 s5, s8  }
0xa: {  	v4 =	vimm.s32 $0x1D150D05;
	[tilespmem:s7], [sflag:$0x2] =	stream.strided.gather [hbm4b:s5+s19], $0x800, s20, s19, $0x38;
	[tilespmem:$0x2840] =	vst v63  }
0xb: {  	v4 =	vunpack.c.0.s8.s32 v4;
	_ =	swait.ge [sflag:s21], $0x20  }
0xc: {  	v2 =	vimm.s32 $0x1F170F07;
	v3 =	vimm.s32 $0x1C140C04;
	v1 =	vimm.s32 $0x1E160E06;
	[sflag:s21] =	ssyncset.done $0x0  }
0xd: {  	v2 =	vunpack.c.0.s8.s32 v2;
	v3 =	vunpack.c.0.s8.s32 v3;
	v1 =	vunpack.c.0.s8.s32 v1;
	[sflag:s21] =	ssyncadd.s32 $0xFFFFFFE0  }
0xe: {  	v0 =	vld.idx.msk [tilespmem:v0+s9+$0x0], $0xffff  }
0xf: {  	v1 =	vsel vm0, v2, v1;
	v2 =	vsel vm0, v4, v3  }
0x10: {  	v1 =	vcombine.low v2, v1;
	_ =	sdelay $0x2  }
0x11: {  	v0 =	vadd.f32 $2.000000000e+00, v0;
	_ =	sdelay $0x1  }
0x12: {  	[tilespmem:$0x2820] =	vst v0  }
0x13: {  	v0 =	vld.idx.msk [tilespmem:v1+s9+$0x0], $0xffff;
	_ =	sdelay $0x4  }
0x14: {  	v0 =	vadd.f32 $2.000000000e+00, v0;
	_ =	sdelay $0x1  }
0x15: {  	s22 =	simm.s32 $0x2;
	[tilespmem:$0x2830] =	vst v0  }
0x16: {  	s8 =	sand.u32 $0x60, s7;
	s7 =	sand.u32 $0x1E00, s7;
	_ =	swait.ge [sflag:s22], $0x800  }
0x17: {  	s10 =	sor.u32 $0x10, s8;
	s23 =	sshrl.u32 s7, $0x2;
	[sflag:s22] =	ssyncset.done $0x0  }
0x18: {  	s24 =	sor.u32 s10, s23;
	[sflag:s22] =	ssyncadd.s32 $0xFFFFF800  }
0x19: {  	v0 =	vld [tilespmem:s24+$0x0]  }
0x1a: {  	s25 =	simm.s32 $0x20;
	s11 =	simm.s32 $0x80  }
0x1b: {  	s11 =	sand.u32 $0x1E00, s11;
	s6 =	sand.u32 $0x60, s25  }
0x1c: {  	s12 =	sshrl.u32 s11, $0x2;
	s13 =	sor.u32 $0x10, s6  }
0x1d: {  	s26 =	sor.u32 s13, s12  }
0x1e: {  	v1 =	vshll.u32 v0, $0x2;
	v0 =	vld [tilespmem:s26+$0x0];
	_ =	sdelay $0x3  }
0x1f: {  	s5 =	simm.s32 $0x2820  }
0x20: {  	s9 =	sor.u32 s8, s23;
	v3 =	vld.idx.msk [tilespmem:v1+s5+$0x0], $0xffff;
	v5 =	vshll.u32 v0, $0x2  }
0x21: {  	v2 =	vld [tilespmem:s9+$0x0];
	v4 =	vor.u32 $0x1, v1  }
0x22: {  	s29 =	simm.s32 $0x40  }
0x23: {  	s30 =	simm.s32 $0x100;
	s28 =	sor.u32 s6, s12;
	s16 =	sadd.s32 $0x800, s7  }
0x24: {  	s31 =	sand.u32 $0x60, s29;
	s18 =	sand.u32 $0x1E00, s30;
	s15 =	sor.u32 s10, s16;
	v0 =	vld [tilespmem:s28+$0x0]  }
0x25: {  	s19 =	sshrl.u32 s18, $0x2;
	s20 =	sor.u32 $0x10, s31;
	[tilespmem:s15+$0x0] =	vst v3;
	v6 =	vld.idx.msk [tilespmem:v5+s5+$0x0], $0xffff  }
0x26: {  	s21 =	sor.u32 s20, s19;
	s22 =	simm.s32 $0x180;
	v2 =	vshll.u32 v2, $0x2;
	v3 =	vld.idx.msk [tilespmem:v4+s5+$0x0], $0xffff  }
0x27: {  	s11 =	sadd.s32 $0x800, s11;
	s23 =	simm.s32 $0x60;
	v7 =	vld [tilespmem:s21+$0x0];
	s17 =	sand.u32 $0x1E00, s22;
	v8 =	vor.u32 $0x1, v5  }
0x28: {  	s7 =	sor.u32 s31, s19;
	s14 =	sand.u32 $0x60, s23;
	s24 =	sshrl.u32 s17, $0x2;
	v4 =	vor.u32 $0x2, v1  }
0x29: {  	s13 =	sor.u32 s13, s11;
	v10 =	vld [tilespmem:s7+$0x0];
	s22 =	sor.u32 s14, s24  }
0x2a: {  	s25 =	simm.s32 $0x80;
	v11 =	vld [tilespmem:s22+$0x0];
	s26 =	simm.s32 $0x200;
	[tilespmem:s13+$0x0] =	vst v6  }
0x2b: {  	s7 =	sand.u32 $0x60, s25;
	s10 =	sand.u32 $0x1E00, s26;
	v9 =	vld.idx.msk [tilespmem:v2+s5+$0x0], $0xffff;
	[tilespmem:s15+$0x80] =	vst v3;
	v3 =	vshll.u32 v0, $0x2  }
0x2c: {  	s12 =	sor.u32 $0x10, s7;
	s28 =	sshrl.u32 s10, $0x2;
	v0 =	vshll.u32 v7, $0x2;
	v6 =	vld.idx.msk [tilespmem:v8+s5+$0x0], $0xffff  }
0x2d: {  	s19 =	sor.u32 $0x10, s14;
	s29 =	sor.u32 s12, s28;
	v7 =	vor.u32 $0x1, v2;
	v4 =	vld.idx.msk [tilespmem:v4+s5+$0x0], $0xffff  }
0x2e: {  	s21 =	sor.u32 s19, s24;
	v12 =	vor.u32 $0x2, v5;
	v15 =	vld [tilespmem:s29+$0x0]  }
0x2f: {  	s8 =	sor.u32 s8, s16;
	v1 =	vor.u32 $0x3, v1;
	v8 =	vld [tilespmem:s21+$0x0]  }
0x30: {  	v10 =	vshll.u32 v10, $0x2;
	[tilespmem:s8+$0x0] =	vst v9;
	v13 =	vld.idx.msk [tilespmem:v3+s5+$0x0], $0xffff  }
0x31: {  	v14 =	vor.u32 $0x1, v3;
	v9 =	vld.idx.msk [tilespmem:v0+s5+$0x0], $0xffff;
	[tilespmem:s13+$0x80] =	vst v6  }
0x32: {  	v7 =	vld.idx.msk [tilespmem:v7+s5+$0x0], $0xffff;
	[tilespmem:s15+$0x100] =	vst v4;
	v4 =	vor.u32 $0x1, v0  }
0x33: {  	v16 =	vor.u32 $0x2, v2;
	v6 =	vld.idx.msk [tilespmem:v12+s5+$0x0], $0xffff  }
0x34: {  	s30 =	sadd.s32 $0x800, s18;
	s6 =	sor.u32 s6, s11;
	v17 =	vld.idx.msk [tilespmem:v1+s5+$0x0], $0xffff  }
0x35: {  	s11 =	sor.u32 s20, s30;
	v1 =	vshll.u32 v8, $0x2;
	v8 =	vld.idx.msk [tilespmem:v10+s5+$0x0], $0xffff;
	[tilespmem:s6+$0x0] =	vst v13  }
0x36: {  	v5 =	vor.u32 $0x3, v5;
	[tilespmem:s11+$0x0] =	vst v9;
	v18 =	vld.idx.msk [tilespmem:v14+s5+$0x0], $0xffff  }
0x37: {  	v19 =	vshll.u32 v11, $0x2;
	[tilespmem:s8+$0x80] =	vst v7;
	v4 =	vld.idx.msk [tilespmem:v4+s5+$0x0], $0xffff  }
0x38: {  	s9 =	sor.u32 s31, s30;
	v21 =	vor.u32 $0x1, v10;
	s31 =	sor.u32 s7, s28;
	v20 =	vld.idx.msk [tilespmem:v16+s5+$0x0], $0xffff  }
0x39: {  	v11 =	vor.u32 $0x2, v0;
	[tilespmem:s13+$0x100] =	vst v6;
	v16 =	vld [tilespmem:s31+$0x0]  }
0x3a: {  	v9 =	vor.u32 $0x2, v3;
	v14 =	vld.idx.msk [tilespmem:v1+s5+$0x0], $0xffff;
	[tilespmem:s15+$0x180] =	vst v17  }
0x3b: {  	v13 =	vld.idx.msk [tilespmem:v5+s5+$0x0], $0xffff;
	[tilespmem:s9+$0x0] =	vst v8;
	v17 =	vor.u32 $0x1, v1  }
0x3c: {  	v12 =	vld.idx.msk [tilespmem:v19+s5+$0x0], $0xffff;
	v7 =	vor.u32 $0x2, v19;
	v6 =	vor.u32 $0x3, v2;
	[tilespmem:s11+$0x80] =	vst v4  }
0x3d: {  	s18 =	simm.s32 $0x280;
	s20 =	sadd.s32 $0x800, s17;
	v5 =	vor.u32 $0x2, v10;
	v4 =	vor.u32 $0x3, v10;
	[tilespmem:s6+$0x80] =	vst v18;
	v10 =	vshll.u32 v15, $0x2;
	v15 =	vld.idx.msk [tilespmem:v21+s5+$0x0], $0xffff  }
0x3e: {  	s16 =	simm.s32 $0x8;
	s17 =	simm.s32 $0xA0;
	v2 =	vor.u32 $0x3, v3;
	v3 =	vor.u32 $0x3, v19;
	v8 =	vor.u32 $0x1, v19;
	s15 =	sor.u32 s19, s20;
	[tilespmem:s8+$0x100] =	vst v20;
	v11 =	vld.idx.msk [tilespmem:v11+s5+$0x0], $0xffff  }
.LBB2_1:
0x3f: {  	s19 =	sand.u32 $0x60, s17;
	s21 =	sand.u32 $0x1E00, s18;
	s20 =	sor.u32 s14, s20;
	[tilespmem:s15+$0x0] =	vst v14;
	v18 =	vor.u32 $0x3, v0;
	v19 =	vld.idx.msk [tilespmem:v9+s5+$0x0], $0xffff;
	v9 =	vmovc v5;
	v5 =	vmovc v7;
	v0 =	vmov v1;
	v1 =	vmov v10  }
0x40: {  	s16 =	sadd.s32 $0x2, s16;
	s14 =	sshrl.u32 s21, $0x2;
	s22 =	sor.u32 $0x10, s19;
	v20 =	vshll.u32 v16, $0x2;
	v21 =	vld.idx.msk [tilespmem:v17+s5+$0x0], $0xffff;
	[tilespmem:s13+$0x180] =	vst v13  }
0x41: {  	p0 =	slt.u32 s16, $0x7E;
	s23 =	sor.u32 s19, s14;
	s13 =	sor.u32 s22, s14;
	v22 =	vor.u32 $0x1, v20;
	v7 =	vor.u32 $0x2, v20;
	v13 =	vor.u32 $0x3, v20;
	v23 =	vld.idx.msk [tilespmem:v6+s5+$0x0], $0xffff;
	v6 =	vmovc v2;
	v2 =	vmovc v4  }
0x42: {  	v25 =	vor.u32 $0x2, v0;
	v4 =	vmov v3;
	s14 =	smov.u32 s7;
	s7 =	smov.u32 s19;
	s19 =	smov.u32 s6;
	v24 =	vld [tilespmem:s13+$0x0];
	[tilespmem:s20+$0x0] =	vst v12;
	v3 =	vmov v13  }
0x43: {  	s24 =	smov.u32 s12;
	s6 =	smov.u32 s9;
	s9 =	smov.u32 s20;
	v14 =	vld.idx.msk [tilespmem:v10+s5+$0x0], $0xffff;
	[tilespmem:s11+$0x100] =	vst v11  }
.Ltmp0:
0x44: {  	s12 =	smov.u32 s22;
	s13 =	smov.u32 s11;
	[tilespmem:s6+$0x80] =	vst v15;
	v13 =	vld.idx.msk [tilespmem:v18+s5+$0x0], $0xffff;
	(pc) =	sbr.rel @p0 .LBB2_1-.Ltmp0, $4  }
0x45: {  	v17 =	vor.u32 $0x1, v1;
	s11 =	smov.u32 s15;
	v16 =	vld [tilespmem:s23+$0x0];
	[tilespmem:s19+$0x100] =	vst v19  }
0x46: {  	v12 =	vld.idx.msk [tilespmem:v20+s5+$0x0], $0xffff;
	[tilespmem:s11+$0x80] =	vst v21  }
0x47: {  	s20 =	sadd.s32 $0x800, s10;
	s10 =	smov.u32 s21;
	v11 =	vld.idx.msk [tilespmem:v25+s5+$0x0], $0xffff;
	[tilespmem:s8+$0x180] =	vst v23;
	s8 =	smov.u32 s19  }
0x48: {  	s17 =	sadd.s32 $0x20, s17;
	s18 =	sadd.s32 $0x80, s18;
	s15 =	sor.u32 s24, s20;
	v10 =	vshll.u32 v24, $0x2;
	v15 =	vld.idx.msk [tilespmem:v8+s5+$0x0], $0xffff;
	v8 =	vmov v22  }
0x49: {  	_ = 	snop  }
0x4a: {  	v16 =	vshll.u32 v16, $0x2;
	_ =	sdelay $0x3  }
0x4b: {  	v18 =	vld.idx.msk [tilespmem:v10+s5+$0x0], $0xffff;
	[tilespmem:s15+$0x0] =	vst v14  }
0x4c: {  	v51 =	vor.u32 $0x1, v10;
	s14 =	sor.u32 s14, s20;
	[tilespmem:s13+$0x180] =	vst v13;
	v52 =	vld.idx.msk [tilespmem:v16+s5+$0x0], $0xffff  }
0x4d: {  	v9 =	vld.idx.msk [tilespmem:v9+s5+$0x0], $0xffff;
	v19 =	vor.u32 $0x1, v16;
	[tilespmem:s14+$0x0] =	vst v12  }
0x4e: {  	s10 =	sadd.s32 $0x800, s10;
	v0 =	vor.u32 $0x3, v0;
	v6 =	vld.idx.msk [tilespmem:v6+s5+$0x0], $0xffff;
	[tilespmem:s11+$0x100] =	vst v11  }
0x4f: {  	v53 =	vld.idx.msk [tilespmem:v17+s5+$0x0], $0xffff;
	s12 =	sor.u32 s12, s10;
	[tilespmem:s9+$0x80] =	vst v15  }
0x50: {  	v54 =	vor.u32 $0x2, v1;
	s7 =	sor.u32 s7, s10;
	v8 =	vld.idx.msk [tilespmem:v8+s5+$0x0], $0xffff;
	[tilespmem:s12+$0x0] =	vst v18  }
0x51: {  	v14 =	vld.idx.msk [tilespmem:v51+s5+$0x0], $0xffff;
	[tilespmem:s7+$0x0] =	vst v52  }
0x52: {  	v55 =	vor.u32 $0x2, v10;
	[tilespmem:s6+$0x100] =	vst v9;
	v56 =	vld.idx.msk [tilespmem:v19+s5+$0x0], $0xffff  }
0x53: {  	v57 =	vor.u32 $0x2, v16;
	v0 =	vld.idx.msk [tilespmem:v0+s5+$0x0], $0xffff;
	[tilespmem:s8+$0x180] =	vst v6  }
0x54: {  	v5 =	vld.idx.msk [tilespmem:v5+s5+$0x0], $0xffff;
	[tilespmem:s15+$0x80] =	vst v53  }
0x55: {  	v11 =	vld.idx.msk [tilespmem:v54+s5+$0x0], $0xffff;
	[tilespmem:s14+$0x80] =	vst v8  }
0x56: {  	v58 =	vor.u32 $0x3, v1;
	v7 =	vld.idx.msk [tilespmem:v7+s5+$0x0], $0xffff;
	[tilespmem:s12+$0x80] =	vst v14  }
0x57: {  	v59 =	vld.idx.msk [tilespmem:v55+s5+$0x0], $0xffff;
	[tilespmem:s7+$0x80] =	vst v56  }
0x58: {  	v60 =	vor.u32 $0x3, v10;
	[tilespmem:s11+$0x180] =	vst v0;
	v61 =	vld.idx.msk [tilespmem:v57+s5+$0x0], $0xffff  }
0x59: {  	v62 =	vor.u32 $0x3, v16;
	v2 =	vld.idx.msk [tilespmem:v2+s5+$0x0], $0xffff;
	[tilespmem:s9+$0x100] =	vst v5  }
0x5a: {  	v4 =	vld.idx.msk [tilespmem:v4+s5+$0x0], $0xffff;
	[tilespmem:s15+$0x100] =	vst v11  }
0x5b: {  	v1 =	vld.idx.msk [tilespmem:v58+s5+$0x0], $0xffff;
	[tilespmem:s14+$0x100] =	vst v7  }
0x5c: {  	v3 =	vld.idx.msk [tilespmem:v3+s5+$0x0], $0xffff;
	[tilespmem:s12+$0x100] =	vst v59  }
0x5d: {  	v63 =	vld.idx.msk [tilespmem:v60+s5+$0x0], $0xffff;
	[tilespmem:s7+$0x100] =	vst v61  }
0x5e: {  	[tilespmem:s6+$0x180] =	vst v2;
	v0 =	vld.idx.msk [tilespmem:v62+s5+$0x0], $0xffff  }
0x5f: {  	[tilespmem:s9+$0x180] =	vst v4  }
0x60: {  	s4 =	sshll.u32 s4, $0xF;
	[tilespmem:s15+$0x180] =	vst v1  }
0x61: {  	s3 =	sor.u32 s3, s4;
	[tilespmem:s14+$0x180] =	vst v3  }
0x62: {  	s29 =	simm.s32 $0x0;
	s3 =	sshrl.u32 s3, $0x3;
	[tilespmem:s12+$0x180] =	vst v63  }
0x63: {  	s30 =	simm.s32 $0x800;
	s31 =	simm.s32 $0x3;
	s2 =	sadd.s32 s2, s3;
	[tilespmem:s7+$0x180] =	vst v0  }
0x64: {  	[hbm4b:s2+s29] =	stream.linear.scatter [tilespmem:s30], [sflag:$0x3], $0x2000, $0x38;
	[tilespmem:$0x2840] =	vst v63  }
0x65: {  	_ =	swait.ge [sflag:s31], $0x2000  }
0x66: {  	[sflag:s31] =	ssyncset.done $0x0  }
0x67: {  	[sflag:s31] =	ssyncadd.s32 $0xFFFFE000  }
0x68: {  	_ =	sfence.sel $0x180000  }
0x69: {  	[bflag:$0x0] =	sbarrier.arrive $0xFFFF  }
0x6a: {  	p0 =	sne.s32 s0, $0x0;
	_ =	strace $0x90000047  }
0x6b: {  	s0 =	sadd.s32 @!p0 $0x100000, s1;
	[bflag:$0x2] =	sbarrier.arrive $0xFFFF  }
0x6c: {  	[sflag:s0] =	ssyncadd.tile.s32 @!p0 $0x1;
	_ =	shalt  }
.Lfunc_end2:
_tile_overlayer_lowered:
.L_overlay_start_2:
0x6d: {  	(tag) =	ssettag $0x2  }
0x6e: {  	s0 =	rddreg [dreg:$0x0];
	s2 =	stileid.u32  }
0x6f: {  	s1 =	rddreg [dreg:$0x1];
	p0 =	sne.s32 s2, $0x0  }
0x70: {  	s3 =	rddreg [dreg:$0x2];
	[bflag:$0x3] =	sbarrier.arrive $0xFFFF;
	s2 =	simm.s32 @!p0 $0x1C03  }
0x71: {  	[timem:s3], [sflag:s2] =	dma.local @!p0 [hbm:s0], s1  }
0x72: {  	s0 =	simm.s32 @!p0 $0x3  }
0x73: {  	_ =	swait.ge @!p0 [sflag:s0], s1  }
0x74: {  	s1 =	ssub.s32 @!p0 $0x0, s1;
	[sflag:s0] =	ssyncset.done @!p0 $0x0  }
0x75: {  	[sflag:s0] =	ssyncadd.s32 @!p0 s1  }
0x76: {  	[bflag:$0x3] =	sbarrier.arrive $0xFFFF  }
0x77: {  	_ =	shalt  }

</sc_bundles>
